<compile_context>
chip_gen: v7x
topology: tpu7x:2x2x1
jax: 0.10.2.dev20260603
libtpu: 0.0.44.dev20260713+nightly
codegen_flags: <defaults>
</compile_context>

<pallas_src>
import functools

import jax
import jax.numpy as jnp
from jax import lax
from jax.experimental import pallas as pl
from jax.experimental.pallas import tpu as pltpu
from jax.experimental.pallas import tpu_sc as plsc

N = 4096
K = 4096
N_TC = 3072
N_SC = N - N_TC
NW = 32
ROWS_PER_TILE = N_SC // NW
CHUNK_ROWS = 8
NCHUNK = ROWS_PER_TILE // CHUNK_ROWS
NBUF = 2
BN = 512


def _sc_body(w_hbm, out_hbm, buf, outv, sem0, sem1, osem):
    wid = lax.axis_index("s") * 2 + lax.axis_index("c")
    base = N_TC + wid * ROWS_PER_TILE
    sems = (sem0, sem1)
    pltpu.async_copy(w_hbm.at[pl.ds(base, CHUNK_ROWS)], buf.at[0], sems[0])
    acc = jnp.zeros((16,), jnp.float32)
    for c in range(NCHUNK):
        b = c % NBUF
        nb = (c + 1) % NBUF
        if c + 1 < NCHUNK:
            pltpu.async_copy(
                w_hbm.at[pl.ds(base + (c + 1) * CHUNK_ROWS, CHUNK_ROWS)],
                buf.at[nb], sems[nb])
        pltpu.make_async_copy(
            w_hbm.at[pl.ds(base + c * CHUNK_ROWS, CHUNK_ROWS)],
            buf.at[b], sems[b]).wait()
        acc = acc + buf[b, 0, 0:16]
    outv[...] = acc
    pltpu.async_copy(outv, out_hbm.at[pl.ds(wid * 16, 16)], osem).wait()


@functools.partial(
    pl.kernel,
    mesh=plsc.VectorSubcoreMesh(core_axis_name="c", subcore_axis_name="s"),
    out_type=jax.ShapeDtypeStruct((NW * 16,), jnp.float32),
    scratch_types=[
        pltpu.VMEM((NBUF, CHUNK_ROWS, K), jnp.float32),
        pltpu.VMEM((16,), jnp.float32),
        pltpu.SemaphoreType.DMA,
        pltpu.SemaphoreType.DMA,
        pltpu.SemaphoreType.DMA,
    ],
)
def _sc_probe(w_hbm, out_hbm, buf, outv, sem0, sem1, osem):
    _sc_body(w_hbm, out_hbm, buf, outv, sem0, sem1, osem)


def _mm_kernel(x_ref, w_ref, b_ref, o_ref):
    acc = jax.lax.dot_general(
        x_ref[...], w_ref[...],
        dimension_numbers=(((1,), (1,)), ((), ())),
        preferred_element_type=jnp.float32,
    )
    o_ref[...] = acc + b_ref[...]


@jax.jit
def kernel(x, weight, bias):
    m = x.shape[0]
    bias2d = bias.reshape(1, N)
    sc_out = _sc_probe(weight)
    tc_out = pl.pallas_call(
        _mm_kernel,
        grid=(N_TC // BN,),
        in_specs=[
            pl.BlockSpec((m, K), lambda j: (0, 0)),
            pl.BlockSpec((BN, K), lambda j: (j, 0)),
            pl.BlockSpec((1, BN), lambda j: (0, j)),
        ],
        out_specs=pl.BlockSpec((m, BN), lambda j: (0, j)),
        out_shape=jax.ShapeDtypeStruct((m, N_TC), jnp.float32),
    )(x, weight, bias2d)
    tail = jnp.broadcast_to(jnp.tile(sc_out, 2).reshape(1, N_SC), (m, N_SC))
    return jnp.concatenate([tc_out, tail], axis=1)

# --- scband reference (transcript-rebuilt; emitter-appended) ---
"""Pipeline reference for scband-sparse-linear-42193758716222 (READ-ONLY COPY).

The authoritative reference and input builder live on the scoring server;
editing this copy changes nothing except your own understanding.
"""

import jax, jax.numpy as jnp
import numpy as np

IN_FEATURES = 4096
OUT_FEATURES = 4096
SPARSITY = 0.9


def setup_inputs(seed: int = 0) -> dict:
    key = jax.random.key(seed)
    k_x, k_w, k_m = jax.random.split(key, 3)
    x = jax.random.normal(k_x, (64, IN_FEATURES), dtype=jnp.float32)
    # Materialize the sparse weight as a dense masked matrix (same math as
    # torch.sparse: entries zeroed where mask is False).
    weight = jax.random.normal(k_w, (OUT_FEATURES, IN_FEATURES), dtype=jnp.float32)
    mask = (jax.random.uniform(k_m, (OUT_FEATURES, IN_FEATURES)) > SPARSITY).astype(jnp.float32)
    weight = weight * mask
    bias = jnp.zeros((OUT_FEATURES,), dtype=jnp.float32)
    return {"x": x, "weight": weight, "bias": bias}


def reference(x, weight, bias):
    # torch.sparse.mm(W, x.T).T  ==  (W @ x.T).T  ==  x @ W.T
    out = (weight @ x.T).T
    out = out + bias
    return out

if __name__ == "__main__":
    import jax
    _d = setup_inputs()
    print(jax.jit(kernel)(*tuple(_d.values())))

</pallas_src>

<mosaic_0001>
#map = affine_map<(d0, d1) -> (0, 0)>
#map1 = affine_map<(d0, d1) -> (0)>
module attributes {stable_mosaic.version = 14 : i64} {
  func.func @_sc_probe(%arg0: i32, %arg1: i32, %arg2: memref<4096x4096xf32, #tpu.memory_space<hbm>>, %arg3: memref<512xf32, #tpu.memory_space<hbm>>, %arg4: memref<2x8x4096xf32, #tpu.memory_space<vmem>>, %arg5: memref<16xf32, #tpu.memory_space<vmem>>, %arg6: memref<!tpu.dma_semaphore, #tpu.memory_space<semaphore_mem>>, %arg7: memref<!tpu.dma_semaphore, #tpu.memory_space<semaphore_mem>>, %arg8: memref<!tpu.dma_semaphore, #tpu.memory_space<semaphore_mem>>) attributes {dimension_semantics = [#tpu.dimension_semantics<core_parallel>, #tpu.dimension_semantics<subcore_parallel>], iteration_bounds = array<i64: 2, 16>, scalar_prefetch = 0 : i64, scratch_operands = 5 : i64, tpu.core_type = #tpu.core_type<sc_vector_subcore>, window_params = [{transform_indices = #map}, {transform_indices = #map1}]} {
    %mul3A = arith.constant 2 : i32
    %mul3A_0 = arith.muli %arg1, %mul3A : i32
    %add3A = arith.addi %mul3A_0, %arg0 : i32
    %mul3A_1 = arith.constant 32 : i32
    %mul3A_2 = arith.muli %add3A, %mul3A_1 : i32
    %add3A_3 = arith.constant 3072 : i32
    %add3A_4 = arith.addi %add3A_3, %mul3A_2 : i32
    %dma_start3A = arith.constant 0 : i32
    %dma_start3A_5 = arith.constant 0 : i32
    %dma_start3A_6 = arith.constant 0 : i32
    %dma_start3A_7 = tpu.memref_slice %arg4[%dma_start3A, %dma_start3A_5, %dma_start3A_6] : memref<2x8x4096xf32, #tpu.memory_space<vmem>> -> memref<1x8x4096xf32, #tpu.memory_space<vmem>>
    %dma_start3A_8 = tpu.memref_squeeze %dma_start3A_7 : memref<1x8x4096xf32, #tpu.memory_space<vmem>> -> memref<8x4096xf32, #tpu.memory_space<vmem>>
    %dma_start3A_9 = arith.constant 0 : i32
    %dma_start3A_10 = tpu.memref_slice %arg2[%add3A_4, %dma_start3A_9] : memref<4096x4096xf32, #tpu.memory_space<hbm>> -> memref<8x4096xf32, #tpu.memory_space<hbm>>
    %dma_start3A_11 = arith.constant 0 : i32
    %dma_start3A_12 = arith.constant 0 : i32
    %dma_start3A_13 = tpu.memref_slice %arg4[%dma_start3A, %dma_start3A_11, %dma_start3A_12] : memref<2x8x4096xf32, #tpu.memory_space<vmem>> -> memref<1x8x4096xf32, #tpu.memory_space<vmem>>
    %dma_start3A_14 = tpu.memref_squeeze %dma_start3A_13 : memref<1x8x4096xf32, #tpu.memory_space<vmem>> -> memref<8x4096xf32, #tpu.memory_space<vmem>>
    %dma_start3A_15 = arith.constant 0 : i32
    %dma_start3A_16 = tpu.memref_slice %arg2[%add3A_4, %dma_start3A_15] : memref<4096x4096xf32, #tpu.memory_space<hbm>> -> memref<8x4096xf32, #tpu.memory_space<hbm>>
    tpu.enqueue_dma source(%dma_start3A_16 : memref<8x4096xf32, #tpu.memory_space<hbm>>) target(%dma_start3A_14 : memref<8x4096xf32, #tpu.memory_space<vmem>>) target_semaphore(%arg6 : memref<!tpu.dma_semaphore, #tpu.memory_space<semaphore_mem>>)
    %broadcast_in_dim3A = arith.constant 0.000000e+00 : f32
    %broadcast_in_dim3A_17 = vector.broadcast %broadcast_in_dim3A : f32 to vector<16xf32>
    %add3A_18 = arith.constant 8 : i32
    %add3A_19 = arith.addi %add3A_4, %add3A_18 : i32
    %dma_start3A_20 = arith.constant 1 : i32
    %dma_start3A_21 = arith.constant 0 : i32
    %dma_start3A_22 = arith.constant 0 : i32
    %dma_start3A_23 = tpu.memref_slice %arg4[%dma_start3A_20, %dma_start3A_21, %dma_start3A_22] : memref<2x8x4096xf32, #tpu.memory_space<vmem>> -> memref<1x8x4096xf32, #tpu.memory_space<vmem>>
    %dma_start3A_24 = tpu.memref_squeeze %dma_start3A_23 : memref<1x8x4096xf32, #tpu.memory_space<vmem>> -> memref<8x4096xf32, #tpu.memory_space<vmem>>
    %dma_start3A_25 = arith.constant 0 : i32
    %dma_start3A_26 = tpu.memref_slice %arg2[%add3A_19, %dma_start3A_25] : memref<4096x4096xf32, #tpu.memory_space<hbm>> -> memref<8x4096xf32, #tpu.memory_space<hbm>>
    %dma_start3A_27 = arith.constant 0 : i32
    %dma_start3A_28 = arith.constant 0 : i32
    %dma_start3A_29 = tpu.memref_slice %arg4[%dma_start3A_20, %dma_start3A_27, %dma_start3A_28] : memref<2x8x4096xf32, #tpu.memory_space<vmem>> -> memref<1x8x4096xf32, #tpu.memory_space<vmem>>
    %dma_start3A_30 = tpu.memref_squeeze %dma_start3A_29 : memref<1x8x4096xf32, #tpu.memory_space<vmem>> -> memref<8x4096xf32, #tpu.memory_space<vmem>>
    %dma_start3A_31 = arith.constant 0 : i32
    %dma_start3A_32 = tpu.memref_slice %arg2[%add3A_19, %dma_start3A_31] : memref<4096x4096xf32, #tpu.memory_space<hbm>> -> memref<8x4096xf32, #tpu.memory_space<hbm>>
    tpu.enqueue_dma source(%dma_start3A_32 : memref<8x4096xf32, #tpu.memory_space<hbm>>) target(%dma_start3A_30 : memref<8x4096xf32, #tpu.memory_space<vmem>>) target_semaphore(%arg7 : memref<!tpu.dma_semaphore, #tpu.memory_space<semaphore_mem>>)
    %add3A_33 = arith.constant 0 : i32
    %add3A_34 = arith.addi %add3A_4, %add3A_33 : i32
    %dma_wait3A = arith.constant 0 : i32
    %dma_wait3A_35 = arith.constant 0 : i32
    %dma_wait3A_36 = arith.constant 0 : i32
    %dma_wait3A_37 = tpu.memref_slice %arg4[%dma_wait3A, %dma_wait3A_35, %dma_wait3A_36] : memref<2x8x4096xf32, #tpu.memory_space<vmem>> -> memref<1x8x4096xf32, #tpu.memory_space<vmem>>
    %dma_wait3A_38 = tpu.memref_squeeze %dma_wait3A_37 : memref<1x8x4096xf32, #tpu.memory_space<vmem>> -> memref<8x4096xf32, #tpu.memory_space<vmem>>
    %dma_wait3A_39 = arith.constant 0 : i32
    %dma_wait3A_40 = tpu.memref_slice %arg2[%add3A_34, %dma_wait3A_39] : memref<4096x4096xf32, #tpu.memory_space<hbm>> -> memref<8x4096xf32, #tpu.memory_space<hbm>>
    %dma_wait3A_41 = arith.constant 0 : i32
    %dma_wait3A_42 = arith.constant 0 : i32
    %dma_wait3A_43 = tpu.memref_slice %arg4[%dma_wait3A, %dma_wait3A_41, %dma_wait3A_42] : memref<2x8x4096xf32, #tpu.memory_space<vmem>> -> memref<1x8x4096xf32, #tpu.memory_space<vmem>>
    %dma_wait3A_44 = tpu.memref_squeeze %dma_wait3A_43 : memref<1x8x4096xf32, #tpu.memory_space<vmem>> -> memref<8x4096xf32, #tpu.memory_space<vmem>>
    %dma_wait3A_45 = arith.constant 0 : i32
    %dma_wait3A_46 = tpu.memref_slice %arg2[%add3A_34, %dma_wait3A_45] : memref<4096x4096xf32, #tpu.memory_space<hbm>> -> memref<8x4096xf32, #tpu.memory_space<hbm>>
    tpu.wait_dma2 semaphore(%arg6 : memref<!tpu.dma_semaphore, #tpu.memory_space<semaphore_mem>>) src(%dma_wait3A_46 : memref<8x4096xf32, #tpu.memory_space<hbm>>) dst(%dma_wait3A_44 : memref<8x4096xf32, #tpu.memory_space<vmem>>)
    %get3A = arith.constant 0 : i32
    %get3A_47 = arith.constant 0 : i32
    %get3A_48 = arith.index_cast %get3A : i32 to index
    %get3A_49 = arith.index_cast %get3A_47 : i32 to index
    %get3A_50 = arith.constant 0 : index
    %get3A_51 = tpu.vector_load %arg4[%get3A_48, %get3A_49, %get3A_50] {strides = array<i32>} : memref<2x8x4096xf32, #tpu.memory_space<vmem>>, vector<1x1x16xf32>,
    %get3A_52 = vector.shape_cast %get3A_51 : vector<1x1x16xf32> to vector<16xf32>
    %add3A_53 = arith.addf %broadcast_in_dim3A_17, %get3A_52 : vector<16xf32>
    %add3A_54 = arith.constant 16 : i32
    %add3A_55 = arith.addi %add3A_4, %add3A_54 : i32
    %dma_start3A_56 = arith.constant 0 : i32
    %dma_start3A_57 = arith.constant 0 : i32
    %dma_start3A_58 = arith.constant 0 : i32
    %dma_start3A_59 = tpu.memref_slice %arg4[%dma_start3A_56, %dma_start3A_57, %dma_start3A_58] : memref<2x8x4096xf32, #tpu.memory_space<vmem>> -> memref<1x8x4096xf32, #tpu.memory_space<vmem>>
    %dma_start3A_60 = tpu.memref_squeeze %dma_start3A_59 : memref<1x8x4096xf32, #tpu.memory_space<vmem>> -> memref<8x4096xf32, #tpu.memory_space<vmem>>
    %dma_start3A_61 = arith.constant 0 : i32
    %dma_start3A_62 = tpu.memref_slice %arg2[%add3A_55, %dma_start3A_61] : memref<4096x4096xf32, #tpu.memory_space<hbm>> -> memref<8x4096xf32, #tpu.memory_space<hbm>>
    %dma_start3A_63 = arith.constant 0 : i32
    %dma_start3A_64 = arith.constant 0 : i32
    %dma_start3A_65 = tpu.memref_slice %arg4[%dma_start3A_56, %dma_start3A_63, %dma_start3A_64] : memref<2x8x4096xf32, #tpu.memory_space<vmem>> -> memref<1x8x4096xf32, #tpu.memory_space<vmem>>
    %dma_start3A_66 = tpu.memref_squeeze %dma_start3A_65 : memref<1x8x4096xf32, #tpu.memory_space<vmem>> -> memref<8x4096xf32, #tpu.memory_space<vmem>>
    %dma_start3A_67 = arith.constant 0 : i32
    %dma_start3A_68 = tpu.memref_slice %arg2[%add3A_55, %dma_start3A_67] : memref<4096x4096xf32, #tpu.memory_space<hbm>> -> memref<8x4096xf32, #tpu.memory_space<hbm>>
    tpu.enqueue_dma source(%dma_start3A_68 : memref<8x4096xf32, #tpu.memory_space<hbm>>) target(%dma_start3A_66 : memref<8x4096xf32, #tpu.memory_space<vmem>>) target_semaphore(%arg6 : memref<!tpu.dma_semaphore, #tpu.memory_space<semaphore_mem>>)
    %add3A_69 = arith.constant 8 : i32
    %add3A_70 = arith.addi %add3A_4, %add3A_69 : i32
    %dma_wait3A_71 = arith.constant 1 : i32
    %dma_wait3A_72 = arith.constant 0 : i32
    %dma_wait3A_73 = arith.constant 0 : i32
    %dma_wait3A_74 = tpu.memref_slice %arg4[%dma_wait3A_71, %dma_wait3A_72, %dma_wait3A_73] : memref<2x8x4096xf32, #tpu.memory_space<vmem>> -> memref<1x8x4096xf32, #tpu.memory_space<vmem>>
    %dma_wait3A_75 = tpu.memref_squeeze %dma_wait3A_74 : memref<1x8x4096xf32, #tpu.memory_space<vmem>> -> memref<8x4096xf32, #tpu.memory_space<vmem>>
    %dma_wait3A_76 = arith.constant 0 : i32
    %dma_wait3A_77 = tpu.memref_slice %arg2[%add3A_70, %dma_wait3A_76] : memref<4096x4096xf32, #tpu.memory_space<hbm>> -> memref<8x4096xf32, #tpu.memory_space<hbm>>
    %dma_wait3A_78 = arith.constant 0 : i32
    %dma_wait3A_79 = arith.constant 0 : i32
    %dma_wait3A_80 = tpu.memref_slice %arg4[%dma_wait3A_71, %dma_wait3A_78, %dma_wait3A_79] : memref<2x8x4096xf32, #tpu.memory_space<vmem>> -> memref<1x8x4096xf32, #tpu.memory_space<vmem>>
    %dma_wait3A_81 = tpu.memref_squeeze %dma_wait3A_80 : memref<1x8x4096xf32, #tpu.memory_space<vmem>> -> memref<8x4096xf32, #tpu.memory_space<vmem>>
    %dma_wait3A_82 = arith.constant 0 : i32
    %dma_wait3A_83 = tpu.memref_slice %arg2[%add3A_70, %dma_wait3A_82] : memref<4096x4096xf32, #tpu.memory_space<hbm>> -> memref<8x4096xf32, #tpu.memory_space<hbm>>
    tpu.wait_dma2 semaphore(%arg7 : memref<!tpu.dma_semaphore, #tpu.memory_space<semaphore_mem>>) src(%dma_wait3A_83 : memref<8x4096xf32, #tpu.memory_space<hbm>>) dst(%dma_wait3A_81 : memref<8x4096xf32, #tpu.memory_space<vmem>>)
    %get3A_84 = arith.constant 1 : i32
    %get3A_85 = arith.constant 0 : i32
    %get3A_86 = arith.index_cast %get3A_84 : i32 to index
    %get3A_87 = arith.index_cast %get3A_85 : i32 to index
    %get3A_88 = arith.constant 0 : index
    %get3A_89 = tpu.vector_load %arg4[%get3A_86, %get3A_87, %get3A_88] {strides = array<i32>} : memref<2x8x4096xf32, #tpu.memory_space<vmem>>, vector<1x1x16xf32>,
    %get3A_90 = vector.shape_cast %get3A_89 : vector<1x1x16xf32> to vector<16xf32>
    %add3A_91 = arith.addf %add3A_53, %get3A_90 : vector<16xf32>
    %add3A_92 = arith.constant 24 : i32
    %add3A_93 = arith.addi %add3A_4, %add3A_92 : i32
    %dma_start3A_94 = arith.constant 1 : i32
    %dma_start3A_95 = arith.constant 0 : i32
    %dma_start3A_96 = arith.constant 0 : i32
    %dma_start3A_97 = tpu.memref_slice %arg4[%dma_start3A_94, %dma_start3A_95, %dma_start3A_96] : memref<2x8x4096xf32, #tpu.memory_space<vmem>> -> memref<1x8x4096xf32, #tpu.memory_space<vmem>>
    %dma_start3A_98 = tpu.memref_squeeze %dma_start3A_97 : memref<1x8x4096xf32, #tpu.memory_space<vmem>> -> memref<8x4096xf32, #tpu.memory_space<vmem>>
    %dma_start3A_99 = arith.constant 0 : i32
    %dma_start3A_100 = tpu.memref_slice %arg2[%add3A_93, %dma_start3A_99] : memref<4096x4096xf32, #tpu.memory_space<hbm>> -> memref<8x4096xf32, #tpu.memory_space<hbm>>
    %dma_start3A_101 = arith.constant 0 : i32
    %dma_start3A_102 = arith.constant 0 : i32
    %dma_start3A_103 = tpu.memref_slice %arg4[%dma_start3A_94, %dma_start3A_101, %dma_start3A_102] : memref<2x8x4096xf32, #tpu.memory_space<vmem>> -> memref<1x8x4096xf32, #tpu.memory_space<vmem>>
    %dma_start3A_104 = tpu.memref_squeeze %dma_start3A_103 : memref<1x8x4096xf32, #tpu.memory_space<vmem>> -> memref<8x4096xf32, #tpu.memory_space<vmem>>
    %dma_start3A_105 = arith.constant 0 : i32
    %dma_start3A_106 = tpu.memref_slice %arg2[%add3A_93, %dma_start3A_105] : memref<4096x4096xf32, #tpu.memory_space<hbm>> -> memref<8x4096xf32, #tpu.memory_space<hbm>>
    tpu.enqueue_dma source(%dma_start3A_106 : memref<8x4096xf32, #tpu.memory_space<hbm>>) target(%dma_start3A_104 : memref<8x4096xf32, #tpu.memory_space<vmem>>) target_semaphore(%arg7 : memref<!tpu.dma_semaphore, #tpu.memory_space<semaphore_mem>>)
    %add3A_107 = arith.constant 16 : i32
    %add3A_108 = arith.addi %add3A_4, %add3A_107 : i32
    %dma_wait3A_109 = arith.constant 0 : i32
    %dma_wait3A_110 = arith.constant 0 : i32
    %dma_wait3A_111 = arith.constant 0 : i32
    %dma_wait3A_112 = tpu.memref_slice %arg4[%dma_wait3A_109, %dma_wait3A_110, %dma_wait3A_111] : memref<2x8x4096xf32, #tpu.memory_space<vmem>> -> memref<1x8x4096xf32, #tpu.memory_space<vmem>>
    %dma_wait3A_113 = tpu.memref_squeeze %dma_wait3A_112 : memref<1x8x4096xf32, #tpu.memory_space<vmem>> -> memref<8x4096xf32, #tpu.memory_space<vmem>>
    %dma_wait3A_114 = arith.constant 0 : i32
    %dma_wait3A_115 = tpu.memref_slice %arg2[%add3A_108, %dma_wait3A_114] : memref<4096x4096xf32, #tpu.memory_space<hbm>> -> memref<8x4096xf32, #tpu.memory_space<hbm>>
    %dma_wait3A_116 = arith.constant 0 : i32
    %dma_wait3A_117 = arith.constant 0 : i32
    %dma_wait3A_118 = tpu.memref_slice %arg4[%dma_wait3A_109, %dma_wait3A_116, %dma_wait3A_117] : memref<2x8x4096xf32, #tpu.memory_space<vmem>> -> memref<1x8x4096xf32, #tpu.memory_space<vmem>>
    %dma_wait3A_119 = tpu.memref_squeeze %dma_wait3A_118 : memref<1x8x4096xf32, #tpu.memory_space<vmem>> -> memref<8x4096xf32, #tpu.memory_space<vmem>>
    %dma_wait3A_120 = arith.constant 0 : i32
    %dma_wait3A_121 = tpu.memref_slice %arg2[%add3A_108, %dma_wait3A_120] : memref<4096x4096xf32, #tpu.memory_space<hbm>> -> memref<8x4096xf32, #tpu.memory_space<hbm>>
    tpu.wait_dma2 semaphore(%arg6 : memref<!tpu.dma_semaphore, #tpu.memory_space<semaphore_mem>>) src(%dma_wait3A_121 : memref<8x4096xf32, #tpu.memory_space<hbm>>) dst(%dma_wait3A_119 : memref<8x4096xf32, #tpu.memory_space<vmem>>)
    %get3A_122 = arith.constant 0 : i32
    %get3A_123 = arith.constant 0 : i32
    %get3A_124 = arith.index_cast %get3A_122 : i32 to index
    %get3A_125 = arith.index_cast %get3A_123 : i32 to index
    %get3A_126 = arith.constant 0 : index
    %get3A_127 = tpu.vector_load %arg4[%get3A_124, %get3A_125, %get3A_126] {strides = array<i32>} : memref<2x8x4096xf32, #tpu.memory_space<vmem>>, vector<1x1x16xf32>,
    %get3A_128 = vector.shape_cast %get3A_127 : vector<1x1x16xf32> to vector<16xf32>
    %add3A_129 = arith.addf %add3A_91, %get3A_128 : vector<16xf32>
    %add3A_130 = arith.constant 24 : i32
    %add3A_131 = arith.addi %add3A_4, %add3A_130 : i32
    %dma_wait3A_132 = arith.constant 1 : i32
    %dma_wait3A_133 = arith.constant 0 : i32
    %dma_wait3A_134 = arith.constant 0 : i32
    %dma_wait3A_135 = tpu.memref_slice %arg4[%dma_wait3A_132, %dma_wait3A_133, %dma_wait3A_134] : memref<2x8x4096xf32, #tpu.memory_space<vmem>> -> memref<1x8x4096xf32, #tpu.memory_space<vmem>>
    %dma_wait3A_136 = tpu.memref_squeeze %dma_wait3A_135 : memref<1x8x4096xf32, #tpu.memory_space<vmem>> -> memref<8x4096xf32, #tpu.memory_space<vmem>>
    %dma_wait3A_137 = arith.constant 0 : i32
    %dma_wait3A_138 = tpu.memref_slice %arg2[%add3A_131, %dma_wait3A_137] : memref<4096x4096xf32, #tpu.memory_space<hbm>> -> memref<8x4096xf32, #tpu.memory_space<hbm>>
    %dma_wait3A_139 = arith.constant 0 : i32
    %dma_wait3A_140 = arith.constant 0 : i32
    %dma_wait3A_141 = tpu.memref_slice %arg4[%dma_wait3A_132, %dma_wait3A_139, %dma_wait3A_140] : memref<2x8x4096xf32, #tpu.memory_space<vmem>> -> memref<1x8x4096xf32, #tpu.memory_space<vmem>>
    %dma_wait3A_142 = tpu.memref_squeeze %dma_wait3A_141 : memref<1x8x4096xf32, #tpu.memory_space<vmem>> -> memref<8x4096xf32, #tpu.memory_space<vmem>>
    %dma_wait3A_143 = arith.constant 0 : i32
    %dma_wait3A_144 = tpu.memref_slice %arg2[%add3A_131, %dma_wait3A_143] : memref<4096x4096xf32, #tpu.memory_space<hbm>> -> memref<8x4096xf32, #tpu.memory_space<hbm>>
    tpu.wait_dma2 semaphore(%arg7 : memref<!tpu.dma_semaphore, #tpu.memory_space<semaphore_mem>>) src(%dma_wait3A_144 : memref<8x4096xf32, #tpu.memory_space<hbm>>) dst(%dma_wait3A_142 : memref<8x4096xf32, #tpu.memory_space<vmem>>)
    %get3A_145 = arith.constant 1 : i32
    %get3A_146 = arith.constant 0 : i32
    %get3A_147 = arith.index_cast %get3A_145 : i32 to index
    %get3A_148 = arith.index_cast %get3A_146 : i32 to index
    %get3A_149 = arith.constant 0 : index
    %get3A_150 = tpu.vector_load %arg4[%get3A_147, %get3A_148, %get3A_149] {strides = array<i32>} : memref<2x8x4096xf32, #tpu.memory_space<vmem>>, vector<1x1x16xf32>,
    %get3A_151 = vector.shape_cast %get3A_150 : vector<1x1x16xf32> to vector<16xf32>
    %add3A_152 = arith.addf %add3A_129, %get3A_151 : vector<16xf32>
    %swap3A = arith.constant 0 : index
    %swap3A_153 = tpu.vector_load %arg5[%swap3A] {strides = array<i32>} : memref<16xf32, #tpu.memory_space<vmem>>, vector<16xf32>,
    %swap3A_154 = vector.shape_cast %swap3A_153 : vector<16xf32> to vector<16xf32>
    %swap3A_155 = vector.shape_cast %add3A_152 : vector<16xf32> to vector<16xf32>
    tpu.vector_store %arg5[%swap3A], %swap3A_155 {strides = array<i32>} : memref<16xf32, #tpu.memory_space<vmem>>, vector<16xf32>,
    %mul3A_156 = arith.constant 16 : i32
    %mul3A_157 = arith.muli %add3A, %mul3A_156 : i32
    %dma_start3A_158 = tpu.memref_slice %arg3[%mul3A_157] : memref<512xf32, #tpu.memory_space<hbm>> -> memref<16xf32, #tpu.memory_space<hbm>>
    %dma_start3A_159 = tpu.memref_slice %arg3[%mul3A_157] : memref<512xf32, #tpu.memory_space<hbm>> -> memref<16xf32, #tpu.memory_space<hbm>>
    tpu.enqueue_dma source(%arg5 : memref<16xf32, #tpu.memory_space<vmem>>) target(%dma_start3A_159 : memref<16xf32, #tpu.memory_space<hbm>>) target_semaphore(%arg8 : memref<!tpu.dma_semaphore, #tpu.memory_space<semaphore_mem>>)
    %dma_wait3A_160 = tpu.memref_slice %arg3[%mul3A_157] : memref<512xf32, #tpu.memory_space<hbm>> -> memref<16xf32, #tpu.memory_space<hbm>>
    %dma_wait3A_161 = tpu.memref_slice %arg3[%mul3A_157] : memref<512xf32, #tpu.memory_space<hbm>> -> memref<16xf32, #tpu.memory_space<hbm>>
    tpu.wait_dma2 semaphore(%arg8 : memref<!tpu.dma_semaphore, #tpu.memory_space<semaphore_mem>>) src(%arg5 : memref<16xf32, #tpu.memory_space<vmem>>) dst(%dma_wait3A_161 : memref<16xf32, #tpu.memory_space<hbm>>)
    return
  }
}

module attributes {stable_mosaic.version = 14 : i64} {
  func.func @_mm_kernel(%arg0: i32, %arg1: memref<64x4096xf32, #tpu.memory_space<vmem>>, %arg2: memref<512x4096xf32, #tpu.memory_space<vmem>>, %arg3: memref<1x512xf32, #tpu.memory_space<vmem>>, %arg4: memref<64x512xf32, #tpu.memory_space<vmem>>) attributes {dimension_semantics = [#tpu.dimension_semantics<arbitrary>], iteration_bounds = array<i64: 6>, scalar_prefetch = 0 : i64, scratch_operands = 0 : i64, tpu.core_type = #tpu.core_type<tc>, window_params = [{pipeline_mode = #tpu.pipeline_mode<synchronous>, transform_indices = @transform_0, window_bounds = array<i64: 64, 4096>}, {transform_indices = @transform_1, window_bounds = array<i64: 512, 4096>}, {transform_indices = @transform_2, window_bounds = array<i64: 1, 512>}, {transform_indices = @transform_3, window_bounds = array<i64: 64, 512>}]} {
    %get3A = arith.constant 0 : index
    %get3A_0 = arith.constant 0 : index
    %get3A_1 = vector.load %arg1[%get3A, %get3A_0] : memref<64x4096xf32, #tpu.memory_space<vmem>>, vector<64x4096xf32>
    %get3A_2 = arith.constant 0 : index
    %get3A_3 = arith.constant 0 : index
    %get3A_4 = vector.load %arg2[%get3A_2, %get3A_3] : memref<512x4096xf32, #tpu.memory_space<vmem>>, vector<512x4096xf32>
    %dot_general3A = arith.constant dense<0.000000e+00> : vector<64x512xf32>
    %dot_general3A_5 = tpu.matmul %get3A_1, %get3A_4, %dot_general3A {dimension_numbers = #tpu.dot_dimension_numbers<[1], [1], [0], [0], [0, 0, 1, 0], [], []>, transpose_lhs_hint = false} : vector<64x4096xf32>, vector<512x4096xf32>, vector<64x512xf32> -> vector<64x512xf32>
    %get3A_6 = arith.constant 0 : index
    %get3A_7 = arith.constant 0 : index
    %get3A_8 = vector.load %arg3[%get3A_6, %get3A_7] : memref<1x512xf32, #tpu.memory_space<vmem>>, vector<1x512xf32>
    %add3A = vector.broadcast %get3A_8 : vector<1x512xf32> to vector<64x512xf32>
    %add3A_9 = arith.addf %dot_general3A_5, %add3A : vector<64x512xf32>
    %swap3A = arith.constant 0 : index
    %swap3A_10 = arith.constant 0 : index
    %swap3A_11 = vector.load %arg4[%swap3A, %swap3A_10] : memref<64x512xf32, #tpu.memory_space<vmem>>, vector<64x512xf32>
    tpu.vector_store %arg4[%swap3A, %swap3A_10], %add3A_9 {strides = array<i32>} : memref<64x512xf32, #tpu.memory_space<vmem>>, vector<64x512xf32>,
    return
  }
  func.func @transform_0(%arg0: i32) -> (i32, i32) {
    %c0_i32 = arith.constant 0 : i32
    %c0_i32_0 = arith.constant 0 : i32
    %c0_i32_1 = arith.constant 0 : i32
    return %c0_i32, %c0_i32_0 : i32, i32
  }
  func.func @transform_1(%arg0: i32) -> (i32, i32) {
    %c0_i32 = arith.constant 0 : i32
    %c0_i32_0 = arith.constant 0 : i32
    return %arg0, %c0_i32 : i32, i32
  }
  func.func @transform_2(%arg0: i32) -> (i32, i32) {
    %c0_i32 = arith.constant 0 : i32
    %c0_i32_0 = arith.constant 0 : i32
    return %c0_i32, %arg0 : i32, i32
  }
  func.func @transform_3(%arg0: i32) -> (i32, i32) {
    %c0_i32 = arith.constant 0 : i32
    %c0_i32_0 = arith.constant 0 : i32
    return %c0_i32, %arg0 : i32, i32
  }
}

</mosaic_0001>

<sc_bundles>
// kernel: kernel.4.cloned.1.call-start
scs
__scs_entry_jumppad:
0x0: {  	(pc) =	sbr.rel $0x88, $3  }
0x1: {  	(tag) =	ssettag $0x0;
	lr =	simm.s32 $0x1  }
0x2: {  	[smem:$0x3F9E] =	sst lr;
	_ =	strace $0xD0000000  }
0x3: {  	_ = 	snop  }
0x4: {  	_ = 	snop  }
0x5: {  	_ = 	snop  }
0x6: {  	_ = 	snop  }
0x7: {  	_ = 	snop  }
__scs_overlays_trampoline_lowered:
0x8: {  	[smem:$0x3FAD] =	sst s0  }
0x9: {  	[smem:$0x3FAE] =	sst s1  }
0xa: {  	[smem:$0x3FAF] =	sst s2  }
0xb: {  	[smem:$0x3FB0] =	sst s3  }
0xc: {  	[smem:$0x3FB1] =	sst s4  }
0xd: {  	[smem:$0x3FB2] =	sst s5  }
0xe: {  	[smem:$0x3FB3] =	sst s6  }
0xf: {  	[smem:$0x3FB4] =	sst s7  }
0x10: {  	[smem:$0x3FB5] =	sst s8  }
0x11: {  	[smem:$0x3FB6] =	sst s9;
	s0 =	simm.s32 @!p0 $0x0  }
0x12: {  	s1 =	sld [smem:$0x3F9C];
	s0 =	simm.s32 @p0 $0x1  }
0x13: {  	[smem:$0x3FB7] =	sst s0;
	s0 =	simm.s32 @!p1 $0x0  }
0x14: {  	s2 =	sld [smem:$0x3F9B];
	s0 =	simm.s32 @p1 $0x1  }
0x15: {  	[smem:$0x3FB8] =	sst s0;
	s0 =	simm.s32 @!p2 $0x0  }
0x16: {  	s3 =	sld [smem:$0x3FDB];
	s0 =	simm.s32 @p2 $0x1  }
0x17: {  	s4 =	simm.s32 $0x1BF5;
	[smem:$0x3FBA] =	sst s0  }
0x18: {  	s0 =	sld [smem:$0x3F9D];
	_ =	swait.ge [sflag:s4], $0x0  }
0x19: {  	s7 =	sld [smem:$0x3F9E]  }
0x1a: {  	s8 =	sadd.s32 $0xFFFFE003, lr  }
0x1b: {  	s9 =	sadd.s32 $0xFFFFFEF7, lr;
	s5 =	simm.s32 $0xFFFFFFFF;
	p2 =	slt.u32 s8, $0xFFFFF086  }
0x1c: {  	p1 =	slt.u32 s9, $0xF7A;
	s5 =	simm.s32 @!p2 $0x0  }
0x1d: {  	s5 =	simm.s32 @p1 $0x1;
	p0 =	seq.s32 s7, s2  }
0x1e: {  	s7 =	smul.u32 @!p0 $0xF7A, s2;
	p2 =	seq.s32 @!p0 s5, $0x0  }
0x1f: {  	s9 =	smul.u32 $0xF7A, s1;
	s8 =	simm.s32 @!p0 $0x1BF5;
	p2 =	por !p2, p0  }
0x20: {  	[sflag:s8] =	ssyncset.s32 @!p0 $0xFFFFF086;
	s6 =	sadd.s32 @!p0 s3, s7;
	s7 =	simm.s32 @!p0 $0x108  }
0x21: {  	s3 =	sadd.s32 s3, s9;
	s6 =	sadd.s32 @!p0 $0x88, s6;
	s7 =	simm.s32 @p2 $0x1082  }
0x22: {  	[simem:s7], [sflag:s8] =	dma.local @!p0 [hbm:s6], $0xF7A  }
0x23: {  	s9 =	sor.u32 $0xD0000000, s2;
	s6 =	simm.s32 $0x108;
	_ =	swait.ge @!p0 [sflag:s8], $0x0  }
0x24: {  	s3 =	sadd.s32 $0x88, s3;
	s6 =	simm.s32 @!p1 $0x1082;
	[sflag:s4] =	ssyncset.s32 $0xFFFFF086  }
0x25: {  	[simem:s6], [sflag:s4] =	dma.local [hbm:s3], $0xF7A  }
0x26: {  	[smem:$0x3F9E] =	sst s1;
	(tag) =	ssettag s2;
	_ =	strace s9  }
0x27: {  	s1 =	sld [smem:$0x3FAE]  }
0x28: {  	s2 =	sld [smem:$0x3FAF]  }
0x29: {  	s4 =	sld [smem:$0x3FB1]  }
0x2a: {  	p0 =	seq.s32 s5, $0x0;
	s5 =	sld [smem:$0x3FB2]  }
0x2b: {  	s6 =	sld [smem:$0x3FB3]  }
0x2c: {  	s7 =	sld [smem:$0x3FB4]  }
0x2d: {  	s3 =	simm.s32 $0x108;
	s8 =	sld [smem:$0x3FB5]  }
0x2e: {  	s3 =	simm.s32 @!p0 $0x1082;
	s9 =	sld [smem:$0x3FB6]  }
0x2f: {  	lr =	sadd.s32 s0, s3;
	s0 =	sld [smem:$0x3FAD]  }
0x30: {  	s3 =	sld [smem:$0x3FB0]  }
0x31: {  	[smem:$0x3FB9] =	sst s10  }
0x32: {  	s10 =	sld [smem:$0x3FB7];
	_ =	sdelay $0x3  }
0x33: {  	p0 =	seq.s32 s10, $0x1;
	s10 =	sld [smem:$0x3FB9];
	_ =	sdelay $0x3  }
0x34: {  	[smem:$0x3FB9] =	sst s10  }
0x35: {  	s10 =	sld [smem:$0x3FB8];
	_ =	sdelay $0x3  }
0x36: {  	p1 =	seq.s32 s10, $0x1;
	s10 =	sld [smem:$0x3FB9];
	_ =	sdelay $0x3  }
0x37: {  	[smem:$0x3FB9] =	sst s10  }
0x38: {  	s10 =	sld [smem:$0x3FBA]  }
0x39: {  	_ = 	snop;
	(pc) =	sbr.ind lr, $3  }
0x3a: {  	_ = 	snop  }
0x3b: {  	_ = 	snop  }
0x3c: {  	p2 =	seq.s32 s10, $0x1;
	s10 =	sld [smem:$0x3FB9]  }
0x3d: {  	_ =	shalt  }
0x3e: {  	_ =	shalt  }
0x3f: {  	_ =	shalt  }
0x40: {  	_ =	shalt  }
0x41: {  	_ =	shalt  }
0x42: {  	_ =	shalt  }
0x43: {  	_ =	shalt  }
0x44: {  	_ =	shalt  }
0x45: {  	_ =	shalt  }
0x46: {  	_ =	shalt  }
0x47: {  	_ =	shalt  }
0x48: {  	_ =	shalt  }
0x49: {  	_ =	shalt  }
0x4a: {  	_ =	shalt  }
0x4b: {  	_ =	shalt  }
0x4c: {  	_ =	shalt  }
0x4d: {  	_ =	shalt  }
0x4e: {  	_ =	shalt  }
0x4f: {  	_ =	shalt  }
0x50: {  	_ =	shalt  }
0x51: {  	_ =	shalt  }
0x52: {  	_ =	shalt  }
0x53: {  	_ =	shalt  }
0x54: {  	_ =	shalt  }
0x55: {  	_ =	shalt  }
0x56: {  	_ =	shalt  }
0x57: {  	_ =	shalt  }
0x58: {  	_ =	shalt  }
0x59: {  	_ =	shalt  }
0x5a: {  	_ =	shalt  }
0x5b: {  	_ =	shalt  }
0x5c: {  	_ =	shalt  }
0x5d: {  	_ =	shalt  }
0x5e: {  	_ =	shalt  }
0x5f: {  	_ =	shalt  }
0x60: {  	_ =	shalt  }
0x61: {  	_ =	shalt  }
0x62: {  	_ =	shalt  }
0x63: {  	_ =	shalt  }
0x64: {  	_ =	shalt  }
0x65: {  	_ =	shalt  }
0x66: {  	_ =	shalt  }
0x67: {  	_ =	shalt  }
0x68: {  	_ =	shalt  }
0x69: {  	_ =	shalt  }
0x6a: {  	_ =	shalt  }
0x6b: {  	_ =	shalt  }
0x6c: {  	_ =	shalt  }
0x6d: {  	_ =	shalt  }
0x6e: {  	_ =	shalt  }
0x6f: {  	_ =	shalt  }
0x70: {  	_ =	shalt  }
0x71: {  	_ =	shalt  }
0x72: {  	_ =	shalt  }
0x73: {  	_ =	shalt  }
0x74: {  	_ =	shalt  }
0x75: {  	_ =	shalt  }
0x76: {  	_ =	shalt  }
0x77: {  	_ =	shalt  }
0x78: {  	_ =	shalt  }
0x79: {  	_ =	shalt  }
0x7a: {  	_ =	shalt  }
0x7b: {  	_ =	shalt  }
0x7c: {  	_ =	shalt  }
0x7d: {  	_ =	shalt  }
0x7e: {  	_ =	shalt  }
0x7f: {  	_ =	shalt  }
0x80: {  	_ =	shalt  }
0x81: {  	_ =	shalt  }
0x82: {  	_ =	shalt  }
0x83: {  	_ =	shalt  }
0x84: {  	_ =	shalt  }
0x85: {  	_ =	shalt  }
0x86: {  	_ =	shalt  }
0x87: {  	_ =	shalt  }
.Lfunc_end0:
.L_simem_size_0:
called_computation_lowered:
.L_overlay_start_0:
0x88: {  	s2 =	sld [smem:$0x3FD9]  }
0x89: {  	s3 =	sld [smem:$0x3FFE];
	_ =	sdelay $0x1  }
0x8a: {  	s1 =	srdreg.scid  }
0x8b: {  	s0 =	sand.u32 $0x1, s1  }
0x8c: {  	s18 =	sshll.u32 s0, $0xA;
	s2 =	sadd.s32 s3, s2  }
0x8d: {  	s2 =	sadd.s32 s2, s18  }
0x8e: {  	[smem:$0x3FC5] =	sst s2  }
0x8f: {  	_ = 	snop  }
0x90: {  	s2 =	sld [smem:$0x3FC8]  }
0x91: {  	s19 =	sld [smem:$0x3FD0];
	(tm) =	ssettm $0x1  }
0x92: {  	s4 =	sld [smem:$0x3FFB];
	_ =	sdelay $0x3  }
0x93: {  	_ =	strace s4  }
0x94: {  	s4 =	sld [smem:$0x3FFC];
	_ =	sdelay $0x3  }
0x95: {  	_ =	strace s4  }
0x96: {  	s4 =	sld [smem:$0x3FFD];
	_ =	sdelay $0x3  }
0x97: {  	_ =	strace s4  }
0x98: {  	_ =	strace $0x8FFFFFFF  }
0x99: {  	s20 =	sld [smem:$0x3FDB];
	_ =	sdelay $0x1  }
0x9a: {  	s5 =	simm.s32 $_scs_section_size  }
0x9b: {  	s6 =	simm.s32 $_size__tile_overlayer_lowered;
	s7 =	simm.s32 $_tile_overlayer_lowered  }
0x9c: {  	s23 =	simm.s32 $0x1BFF;
	s22 =	sshll.u32 s7, $0x1;
	s4 =	sadd.s32 s5, s20  }
0x9d: {  	s8 =	simm.s32 $0x0;
	s21 =	sshll.u32 s6, $0x1;
	s6 =	sadd.s32 s22, s4  }
0x9e: {  	[timem:s8], [sflag:s23] =	dma.local [hbm:s6], s21  }
0x9f: {  	_ =	swait.ge [sflag:s23], s21  }
0xa0: {  	s5 =	ssub.s32 $0x0, s21;
	[sflag:s23] =	ssyncset.done $0x0  }
0xa1: {  	[sflag:s23] =	ssyncadd.s32 s5;
	_ =	sdelay $0x1  }
0xa2: {  	s24 =	simm.s32 $0x1B8B  }
0xa3: {  	_ =	swait.ge [sflag:s24], $0x1  }
0xa4: {  	[sflag:s24] =	ssyncset.done $0x0  }
0xa5: {  	s25 =	simm.s32 $0x1B8E;
	[sflag:s24] =	ssyncadd.s32 $0xFFFFFFFF  }
0xa6: {  	s26 =	simm.s32 $execute0_lowered;
	[smem:$0x3FD2] =	sst s25  }
0xa7: {  	s5 =	sshll.u32 s26, $0x1;
	_ =	strace $0x80000046;
	[dreg:$0x1] =	wrdreg $0xFFFFFFFF  }
0xa8: {  	s28 =	simm.s32 $_size_execute0_lowered;
	s4 =	sadd.s32 s4, s5;
	[dreg:$0x0] =	wrdreg $0x0  }
0xa9: {  	s5 =	sshll.u32 s28, $0x1;
	[dreg:$0x2] =	wrdreg s4  }
0xaa: {  	[dreg:$0x3] =	wrdreg s5  }
0xab: {  	[dreg:$0x4] =	wrdreg $0xC0  }
0xac: {  	_ =	task [dreg:s8], $0x5FFFF  }
0xad: {  	[dreg:$0x1] =	wrdreg $0xFFFFFFFF  }
0xae: {  	[dreg:$0x0] =	wrdreg $0x60  }
0xaf: {  	[dreg:$0x2] =	wrdreg s2  }
0xb0: {  	[dreg:$0x3] =	wrdreg s19  }
0xb1: {  	[dreg:$0x4] =	wrdreg $0x9  }
0xb2: {  	_ =	task.clear_ibuf [dreg:s8], $0x5FFFF;
	_ =	strace $0x90000046  }
0xb3: {  	s29 =	simm.s32 $0x9;
	_ =	strace $0x80000048  }
0xb4: {  	_ =	swait.ge [sflag:s29], $0x1  }
0xb5: {  	[sflag:s29] =	ssyncadd.s32 $0xFFFFFFFF  }
0xb6: {  	_ =	strace $0x90000048  }
0xb7: {  	_ =	sfence  }
0xb8: {  	s30 =	sld [smem:$0x0];
	_ =	sdelay $0x2  }
0xb9: {  	s31 =	sshll.u32 s1, $0xD;
	s1 =	sshrl.u32 s1, $0x2  }
0xba: {  	s3 =	sand.u32 $0x4000, s31;
	s1 =	sadd.s32 s1, s30  }
0xbb: {  	s0 =	sor.u32 s3, s0;
	s1 =	sshll.u32 s1, $0x11  }
0xbc: {  	s0 =	sor.u32 s1, s0  }
0xbd: {  	s0 =	sadd.s32 $0x8F2B, s0  }
0xbe: {  	[sflag:s0] =	ssyncadd.remote.s32 $0x1  }
0xbf: {  	_ =	sfence.sel $0xFFFF  }
0xc0: {  	[dreg:$0x0] =	wrdreg $0xFFFFFFFF;
	(pc) =	sbr.abs _section_cstart, $3  }
0xc1: {  	[dreg:$0x1] =	wrdreg $0xFFFFFFFF  }
0xc2: {  	_ =	task.clear_ibuf [dreg:s8], $0x2FFFF;
	_ =	strace $0x9FFFFFFF  }
0xc3: {  	(tm) =	ssettm $0x7FFFFFFF  }
tec
execute0_lowered:
.L_overlay_start_1:
0x0: {  	(tag) =	ssettag $0x1  }
0x1: {  	s1 =	srdreg.scid;
	s0 =	stileid.u32  }
0x2: {  	s10 =	sand.u32 $0x1, s1;
	s31 =	sshll.u32 s0, $0x1  }
0x3: {  	s3 =	rddreg [dreg:$0x0];
	s12 =	sor.u32 s10, s31  }
0x4: {  	s11 =	rddreg [dreg:$0x1];
	s2 =	simm.s32 $0x0;
	s4 =	sshll.u32 s12, $0xE  }
0x5: {  	[smem:$0x7FF] =	sst s2;
	s9 =	sadd.s32 s4, s3  }
0x6: {  	s1 =	rddreg [dreg:$0x2];
	_ =	strace $0x80000047;
	s3 =	sadd.s32 $0x180000, s9  }
0x7: {  	[tilespmem:s2], [sflag:$0x1] =	stream.linear.gather [hbm4b:s3+s2], $0x8000, $0x38;
	[tilespmem:$0x10080] =	vst v63  }
0x8: {  	s5 =	simm.s32 $0x8000;
	s6 =	simm.s32 $0x1;
	s4 =	sadd.s32 $0x181000, s9  }
0x9: {  	[tilespmem:s5], [sflag:$0x2] =	stream.linear.gather [hbm4b:s4+s2], $0x8000, $0x38;
	[tilespmem:$0x10080] =	vst v63  }
0xa: {  	_ =	swait.ge [sflag:s6], $0x8000  }
0xb: {  	[sflag:s6] =	ssyncset.done $0x0  }
0xc: {  	s8 =	simm.s32 $0x2;
	s7 =	sadd.s32 $0x182000, s9;
	[sflag:s6] =	ssyncadd.s32 $0xFFFF8000  }
0xd: {  	v0 =	vld [tilespmem:$0x0];
	[tilespmem:s2], [sflag:$0x1] =	stream.linear.gather [hbm4b:s7+s2], $0x8000, $0x38  }
0xe: {  	_ =	swait.ge [sflag:s8], $0x8000  }
0xf: {  	[sflag:s8] =	ssyncset.done $0x0  }
0x10: {  	s9 =	sadd.s32 $0x183000, s9;
	[sflag:s8] =	ssyncadd.s32 $0xFFFF8000  }
0x11: {  	v1 =	vld [tilespmem:$0x8000];
	[tilespmem:s5], [sflag:$0x2] =	stream.linear.gather [hbm4b:s9+s2], $0x8000, $0x38  }
0x12: {  	_ =	swait.ge [sflag:s6], $0x8000  }
0x13: {  	[sflag:s6] =	ssyncset.done $0x0  }
0x14: {  	[sflag:s6] =	ssyncadd.s32 $0xFFFF8000  }
0x15: {  	v2 =	vld [tilespmem:$0x0];
	_ =	swait.ge [sflag:s8], $0x8000  }
0x16: {  	[sflag:s8] =	ssyncset.done $0x0  }
0x17: {  	v0 =	vadd.f32 $0.0e+00, v0;
	[sflag:s8] =	ssyncadd.s32 $0xFFFF8000  }
0x18: {  	v3 =	vld [tilespmem:$0x8000]  }
0x19: {  	s10 =	ssub.s32 $0x2, s10;
	v0 =	vadd.f32 v1, v0  }
0x1a: {  	s13 =	sshrl.u32 s10, $0x1  }
0x1b: {  	s13 =	ssub.s32 s10, s13;
	v0 =	vadd.f32 v2, v0  }
0x1c: {  	s13 =	smax.u32 s13, $0x1  }
0x1d: {  	p0 =	sne.s32 s13, $0x1;
	v0 =	vadd.f32 v3, v0  }
.Ltmp0:
0x1e: {  	s12 =	sshll.u32 s12, $0x1;
	(pc) =	sbr.rel @!p0 .LBB2_2-.Ltmp0, $4  }
0x1f: {  	s10 =	sadd.s32 s11, s12;
	s12 =	simm.s32 $0x10000;
	s11 =	simm.s32 $0x3;
	[tilespmem:$0x10000] =	vst v0  }
0x20: {  	[hbm4b:s10+s2] =	stream.linear.scatter [tilespmem:s12], [sflag:$0x3], $0x10, $0x38;
	[tilespmem:$0x10080] =	vst v63  }
0x21: {  	_ =	swait.ge [sflag:s11], $0x10  }
0x22: {  	s13 =	sadd.s32 $0xFFFFFFFF, s13;
	[sflag:s11] =	ssyncset.done $0x0  }
.LBB2_1:
0x23: {  	p0 =	sne.s32 s13, $0x1;
	s13 =	sadd.s32 $0xFFFFFFFF, s13;
	[sflag:s11] =	ssyncadd.s32 $0xFFFFFFF0  }
0x24: {  	[tilespmem:s2], [sflag:$0x1] =	stream.linear.gather [hbm4b:s3+s2], $0x8000, $0x38;
	[tilespmem:$0x10080] =	vst v63  }
0x25: {  	_ = 	snop  }
0x26: {  	[tilespmem:s5], [sflag:$0x2] =	stream.linear.gather [hbm4b:s4+s2], $0x8000, $0x38;
	[tilespmem:$0x10080] =	vst v63  }
0x27: {  	_ =	swait.ge [sflag:s6], $0x8000  }
0x28: {  	[sflag:s6] =	ssyncset.done $0x0  }
0x29: {  	[sflag:s6] =	ssyncadd.s32 $0xFFFF8000  }
0x2a: {  	v0 =	vld [tilespmem:$0x0]  }
0x2b: {  	[tilespmem:s2], [sflag:$0x1] =	stream.linear.gather [hbm4b:s7+s2], $0x8000, $0x38;
	[tilespmem:$0x10080] =	vst v63  }
0x2c: {  	_ =	swait.ge [sflag:s8], $0x8000  }
0x2d: {  	[sflag:s8] =	ssyncset.done $0x0  }
0x2e: {  	[sflag:s8] =	ssyncadd.s32 $0xFFFF8000  }
0x2f: {  	v1 =	vld [tilespmem:$0x8000]  }
0x30: {  	[tilespmem:s5], [sflag:$0x2] =	stream.linear.gather [hbm4b:s9+s2], $0x8000, $0x38;
	[tilespmem:$0x10080] =	vst v63  }
0x31: {  	_ =	swait.ge [sflag:s6], $0x8000  }
0x32: {  	[sflag:s6] =	ssyncset.done $0x0  }
0x33: {  	[sflag:s6] =	ssyncadd.s32 $0xFFFF8000  }
0x34: {  	v2 =	vld [tilespmem:$0x0]  }
0x35: {  	_ =	swait.ge [sflag:s8], $0x8000  }
0x36: {  	[sflag:s8] =	ssyncset.done $0x0  }
0x37: {  	v0 =	vadd.f32 $0.0e+00, v0;
	[sflag:s8] =	ssyncadd.s32 $0xFFFF8000  }
0x38: {  	v3 =	vld [tilespmem:$0x8000]  }
0x39: {  	v0 =	vadd.f32 v1, v0;
	_ =	sdelay $0x1  }
0x3a: {  	v0 =	vadd.f32 v2, v0;
	_ =	sdelay $0x1  }
0x3b: {  	v0 =	vadd.f32 v3, v0  }
.Ltmp1:
0x3c: {  	(pc) =	sbr.rel @p0 .LBB2_1-.Ltmp1, $4  }
0x3d: {  	[tilespmem:$0x10000] =	vst v0  }
0x3e: {  	[hbm4b:s10+s2] =	stream.linear.scatter [tilespmem:s12], [sflag:$0x3], $0x10, $0x38;
	[tilespmem:$0x10080] =	vst v63  }
0x3f: {  	_ =	swait.ge [sflag:s11], $0x10  }
0x40: {  	[sflag:s11] =	ssyncset.done $0x0  }
.LBB2_2:
0x41: {  	[sflag:s11] =	ssyncadd.s32 $0xFFFFFFF0  }
0x42: {  	_ =	sfence.sel $0x180000  }
0x43: {  	[bflag:$0x0] =	sbarrier.arrive $0xFFFF  }
0x44: {  	p0 =	sne.s32 s0, $0x0;
	_ =	strace $0x90000047  }
0x45: {  	s0 =	sadd.s32 @!p0 $0x100000, s1;
	[bflag:$0x2] =	sbarrier.arrive $0xFFFF  }
0x46: {  	[sflag:s0] =	ssyncadd.tile.s32 @!p0 $0x1;
	_ =	shalt  }
.Lfunc_end2:
_tile_overlayer_lowered:
.L_overlay_start_2:
0x47: {  	(tag) =	ssettag $0x2  }
0x48: {  	s0 =	rddreg [dreg:$0x0];
	s2 =	stileid.u32  }
0x49: {  	s1 =	rddreg [dreg:$0x1];
	p0 =	sne.s32 s2, $0x0  }
0x4a: {  	s3 =	rddreg [dreg:$0x2];
	[bflag:$0x3] =	sbarrier.arrive $0xFFFF;
	s2 =	simm.s32 @!p0 $0x1C04  }
0x4b: {  	[timem:s3], [sflag:s2] =	dma.local @!p0 [hbm:s0], s1  }
0x4c: {  	s0 =	simm.s32 @!p0 $0x4  }
0x4d: {  	_ =	swait.ge @!p0 [sflag:s0], s1  }
0x4e: {  	s1 =	ssub.s32 @!p0 $0x0, s1;
	[sflag:s0] =	ssyncset.done @!p0 $0x0  }
0x4f: {  	[sflag:s0] =	ssyncadd.s32 @!p0 s1  }
0x50: {  	[bflag:$0x3] =	sbarrier.arrive $0xFFFF  }
0x51: {  	_ =	shalt  }

</sc_bundles>
